<compile_context>
chip_gen: v7x
topology: tpu7x:2x2x1
jax: 0.10.2.dev20260603
libtpu: 0.0.44.dev20260713+nightly
codegen_flags: <defaults>
</compile_context>

<pallas_src>
import functools

import jax
import jax.numpy as jnp
from jax import lax
from jax.experimental import pallas as pl
from jax.experimental.pallas import tpu as pltpu
from jax.experimental.pallas import tpu_sc as plsc

NUM_TOKENS = 8192
NUM_CODES = 8192
DIM = 32
TOK_BLK = 1024
CB_BLK = 2048
T_TILES = NUM_TOKENS // TOK_BLK
C_TILES = NUM_CODES // CB_BLK


def _tc_body(xt_ref, e_ref, idx_ref, loss_ref):
    t = pl.program_id(0)
    xt = xt_ref[...]
    xb2 = (xt + xt).astype(jnp.bfloat16)
    in_row = jnp.sum(xt * xt, axis=0, keepdims=True)
    inf_f = jnp.float32(jnp.inf)

    best = None
    true = None
    idxf = None
    for c in range(C_TILES):
        e = e_ref[pl.ds(c * CB_BLK, CB_BLK), :]
        eb = e.astype(jnp.bfloat16)
        mm2 = lax.dot_general(eb, xb2, (((1,), (0,)), ((), ())),
                              preferred_element_type=jnp.float32)
        en_col = jnp.sum(e * e, axis=1, keepdims=True)
        d2 = (in_row + en_col) - mm2
        dd = jnp.sqrt(jnp.maximum(d2, 0.0))
        dmin = jnp.min(dd, axis=0, keepdims=True)
        iota_col = lax.broadcasted_iota(
            jnp.int32, (CB_BLK, 1), 0).astype(jnp.float32)
        cand = jnp.where(dd == dmin, iota_col, inf_f)
        lidx = jnp.min(cand, axis=0, keepdims=True) + (c * CB_BLK)
        dmin_bf = dmin.astype(jnp.bfloat16).astype(jnp.float32)
        if c == 0:
            best, true, idxf = dmin_bf, dmin, lidx
        else:
            better = dmin < best
            idxf = jnp.where(better, lidx, idxf)
            best = jnp.where(better, dmin_bf, best)
            true = jnp.minimum(true, dmin)

    idx_ref[...] = idxf.astype(jnp.int32).reshape(1, 1, TOK_BLK)
    part = jnp.sum(true * true)
    acc = jnp.where(t == 0, jnp.zeros((1, 1), jnp.float32), loss_ref[...])
    tot = acc + part
    inv_n = 1.0 / float(NUM_TOKENS * DIM)
    loss_ref[...] = jnp.where(t == T_TILES - 1, tot * inv_n, tot)


def _tc_argmin(flat_t, embeddings, interpret=False):
    return pl.pallas_call(
        _tc_body,
        grid=(T_TILES,),
        in_specs=[
            pl.BlockSpec((DIM, TOK_BLK), lambda t: (0, t)),
            pl.BlockSpec((NUM_CODES, DIM), lambda t: (0, 0)),
        ],
        out_specs=[
            pl.BlockSpec((1, 1, TOK_BLK), lambda t: (t, 0, 0)),
            pl.BlockSpec((1, 1), lambda t: (0, 0)),
        ],
        out_shape=[
            jax.ShapeDtypeStruct((T_TILES, 1, TOK_BLK), jnp.int32),
            jax.ShapeDtypeStruct((1, 1), jnp.float32),
        ],
        interpret=interpret,
    )(flat_t, embeddings)


def _sc_gather(embeddings, indices):
    info = plsc.get_sparse_core_info()
    nw = info.num_cores * info.num_subcores
    b_per_w = NUM_TOKENS // nw
    chunk = 128
    n_chunks = b_per_w // chunk
    mesh = plsc.VectorSubcoreMesh(core_axis_name="c", subcore_axis_name="s")

    @functools.partial(
        pl.kernel,
        mesh=mesh,
        out_type=jax.ShapeDtypeStruct((NUM_TOKENS, DIM), jnp.float32),
        scratch_types=[
            pltpu.VMEM((n_chunks, chunk), jnp.int32),
            pltpu.VMEM((n_chunks, chunk, DIM), jnp.float32),
            pltpu.SemaphoreType.DMA,
        ],
        compiler_params=pltpu.CompilerParams(use_tc_tiling_on_sc=False),
    )
    def k(table_hbm, idx_hbm, out_hbm, idx_v, rows_v, sem):
        wid = lax.axis_index("s") * info.num_cores + lax.axis_index("c")
        base = wid * b_per_w
        for b in range(n_chunks):
            pltpu.sync_copy(idx_hbm.at[pl.ds(base + b * chunk, chunk)],
                            idx_v.at[b])
            pltpu.async_copy(table_hbm.at[idx_v.at[b]], rows_v.at[b],
                             sem).wait()
            pltpu.sync_copy(rows_v.at[b],
                            out_hbm.at[pl.ds(base + b * chunk, chunk)])

    return k(embeddings, indices)


def kernel(inputs, embeddings):
    flat = inputs.reshape(NUM_TOKENS, DIM)
    idx3, loss_raw = _tc_argmin(flat.T, embeddings)
    indices = idx3.reshape(NUM_TOKENS)
    q_flat = _sc_gather(embeddings, indices)
    quantized = q_flat.reshape(inputs.shape)
    loss = loss_raw[0, 0]
    quantized_st = inputs + lax.stop_gradient(quantized - inputs)
    return (quantized_st, loss, indices)

# --- scband reference (transcript-rebuilt; emitter-appended) ---
"""Pipeline reference for scband-enhanced-vector-quantizer-8409545965991 (READ-ONLY COPY).

The authoritative reference and input builder live on the scoring server;
editing this copy changes nothing except your own understanding.
"""

import jax, jax.numpy as jnp
import numpy as np

NUM_EMBEDDINGS = 8192
EMBEDDING_DIM = 32

def setup_inputs(seed: int = 0) -> dict:
    key = jax.random.key(seed)
    k1, k2 = jax.random.split(key)
    inputs = jax.random.normal(k1, (8, 1024, EMBEDDING_DIM), dtype=jnp.float32)
    embeddings = jax.random.normal(k2, (NUM_EMBEDDINGS, EMBEDDING_DIM), dtype=jnp.float32)
    return {"inputs": inputs, "embeddings": embeddings}

def compute_distances(flat_input, embeddings):
    input_norm = jnp.sum(flat_input ** 2, axis=1, keepdims=True)
    emb_norm = jnp.sum(embeddings ** 2, axis=1, keepdims=True)
    distances = input_norm + emb_norm.T - 2.0 * jnp.matmul(flat_input, embeddings.T)
    return jnp.sqrt(jnp.maximum(distances, 0.0))

def reference(inputs, embeddings):
    input_shape = inputs.shape
    flat_input = inputs.reshape(-1, EMBEDDING_DIM)
    distances = compute_distances(flat_input, embeddings)
    encoding_indices = jnp.argmin(distances, axis=1)
    quantized = jnp.take(embeddings, encoding_indices, axis=0).reshape(input_shape)
    # use_commitment=False branch: loss = mse(quantized.detach(), inputs)
    loss = jnp.mean((jax.lax.stop_gradient(quantized) - inputs) ** 2)
    # straight-through estimator
    quantized_st = inputs + jax.lax.stop_gradient(quantized - inputs)
    return (quantized_st, loss, encoding_indices)

if __name__ == "__main__":
    import jax
    _d = setup_inputs()
    print(jax.jit(kernel)(*tuple(_d.values())))

</pallas_src>

<mosaic_0001>
#map = affine_map<(d0, d1) -> (0, 0)>
#map1 = affine_map<(d0, d1) -> (0)>
module attributes {stable_mosaic.version = 14 : i64} {
  func.func @k(%arg0: i32, %arg1: i32, %arg2: memref<8192x32xf32, #tpu.memory_space<hbm>>, %arg3: memref<8192xi32, #tpu.memory_space<hbm>>, %arg4: memref<8192x32xf32, #tpu.memory_space<hbm>>, %arg5: memref<2x128xi32, #tpu.memory_space<vmem>>, %arg6: memref<2x128x32xf32, #tpu.memory_space<vmem>>, %arg7: memref<!tpu.dma_semaphore, #tpu.memory_space<semaphore_mem>>) attributes {dimension_semantics = [#tpu.dimension_semantics<core_parallel>, #tpu.dimension_semantics<subcore_parallel>], iteration_bounds = array<i64: 2, 16>, scalar_prefetch = 0 : i64, scratch_operands = 3 : i64, tpu.core_type = #tpu.core_type<sc_vector_subcore>, window_params = [{transform_indices = #map}, {transform_indices = #map1}, {transform_indices = #map}]} {
    %mul3A = arith.constant 2 : i32
    %mul3A_0 = arith.muli %arg1, %mul3A : i32
    %add3A = arith.addi %mul3A_0, %arg0 : i32
    %mul3A_1 = arith.constant 256 : i32
    %mul3A_2 = arith.muli %add3A, %mul3A_1 : i32
    %add3A_3 = arith.constant 0 : i32
    %add3A_4 = arith.addi %mul3A_2, %add3A_3 : i32
    %run_scoped3A = arith.constant 0 : i32
    "tpu.region"() ({
      %run_scoped3A_60 = tpu.sem_alloc : memref<!tpu.dma_semaphore, #tpu.memory_space<semaphore_mem>>
      %dma_start3A_61 = arith.constant 0 : i32
      %dma_start3A_62 = tpu.memref_slice %arg5[%run_scoped3A, %dma_start3A_61] : memref<2x128xi32, #tpu.memory_space<vmem>> -> memref<1x128xi32, #tpu.memory_space<vmem>>
      %dma_start3A_63 = tpu.memref_squeeze %dma_start3A_62 : memref<1x128xi32, #tpu.memory_space<vmem>> -> memref<128xi32, #tpu.memory_space<vmem>>
      %dma_start3A_64 = tpu.memref_slice %arg3[%add3A_4] : memref<8192xi32, #tpu.memory_space<hbm>> -> memref<128xi32, #tpu.memory_space<hbm>>
      %dma_start3A_65 = arith.constant 0 : i32
      %dma_start3A_66 = tpu.memref_slice %arg5[%run_scoped3A, %dma_start3A_65] : memref<2x128xi32, #tpu.memory_space<vmem>> -> memref<1x128xi32, #tpu.memory_space<vmem>>
      %dma_start3A_67 = tpu.memref_squeeze %dma_start3A_66 : memref<1x128xi32, #tpu.memory_space<vmem>> -> memref<128xi32, #tpu.memory_space<vmem>>
      %dma_start3A_68 = tpu.memref_slice %arg3[%add3A_4] : memref<8192xi32, #tpu.memory_space<hbm>> -> memref<128xi32, #tpu.memory_space<hbm>>
      tpu.enqueue_dma source(%dma_start3A_68 : memref<128xi32, #tpu.memory_space<hbm>>) target(%dma_start3A_67 : memref<128xi32, #tpu.memory_space<vmem>>) target_semaphore(%run_scoped3A_60 : memref<!tpu.dma_semaphore, #tpu.memory_space<semaphore_mem>>)
      %dma_wait3A_69 = arith.constant 0 : i32
      %dma_wait3A_70 = tpu.memref_slice %arg5[%run_scoped3A, %dma_wait3A_69] : memref<2x128xi32, #tpu.memory_space<vmem>> -> memref<1x128xi32, #tpu.memory_space<vmem>>
      %dma_wait3A_71 = tpu.memref_squeeze %dma_wait3A_70 : memref<1x128xi32, #tpu.memory_space<vmem>> -> memref<128xi32, #tpu.memory_space<vmem>>
      %dma_wait3A_72 = tpu.memref_slice %arg3[%add3A_4] : memref<8192xi32, #tpu.memory_space<hbm>> -> memref<128xi32, #tpu.memory_space<hbm>>
      %dma_wait3A_73 = arith.constant 0 : i32
      %dma_wait3A_74 = tpu.memref_slice %arg5[%run_scoped3A, %dma_wait3A_73] : memref<2x128xi32, #tpu.memory_space<vmem>> -> memref<1x128xi32, #tpu.memory_space<vmem>>
      %dma_wait3A_75 = tpu.memref_squeeze %dma_wait3A_74 : memref<1x128xi32, #tpu.memory_space<vmem>> -> memref<128xi32, #tpu.memory_space<vmem>>
      %dma_wait3A_76 = tpu.memref_slice %arg3[%add3A_4] : memref<8192xi32, #tpu.memory_space<hbm>> -> memref<128xi32, #tpu.memory_space<hbm>>
      tpu.wait_dma2 semaphore(%run_scoped3A_60 : memref<!tpu.dma_semaphore, #tpu.memory_space<semaphore_mem>>) src(%dma_wait3A_76 : memref<128xi32, #tpu.memory_space<hbm>>) dst(%dma_wait3A_75 : memref<128xi32, #tpu.memory_space<vmem>>)
      tpu.yield
    }) : () -> ()
    %dma_start3A = arith.constant 0 : i32
    %dma_start3A_5 = arith.constant 0 : i32
    %dma_start3A_6 = arith.constant 0 : i32
    %dma_start3A_7 = arith.constant 0 : i32
    %dma_start3A_8 = tpu.memref_slice %arg6[%dma_start3A_5, %dma_start3A_6, %dma_start3A_7] : memref<2x128x32xf32, #tpu.memory_space<vmem>> -> memref<1x128x32xf32, #tpu.memory_space<vmem>>
    %dma_start3A_9 = tpu.memref_squeeze %dma_start3A_8 : memref<1x128x32xf32, #tpu.memory_space<vmem>> -> memref<128x32xf32, #tpu.memory_space<vmem>>
    %dma_start3A_10 = arith.constant 0 : i32
    %dma_start3A_11 = tpu.memref_slice %arg5[%dma_start3A, %dma_start3A_10] : memref<2x128xi32, #tpu.memory_space<vmem>> -> memref<1x128xi32, #tpu.memory_space<vmem>>
    %dma_start3A_12 = tpu.memref_squeeze %dma_start3A_11 : memref<1x128xi32, #tpu.memory_space<vmem>> -> memref<128xi32, #tpu.memory_space<vmem>>
    %dma_start3A_13 = arith.constant 0 : i32
    %dma_start3A_14 = arith.constant 0 : i32
    %dma_start3A_15 = tpu.memref_slice %arg2[%dma_start3A_13, %dma_start3A_14] : memref<8192x32xf32, #tpu.memory_space<hbm>> -> memref<8192x32xf32, #tpu.memory_space<hbm>>
    tpu.enqueue_indirect_dma source(%dma_start3A_15 : memref<8192x32xf32, #tpu.memory_space<hbm>>) target(%dma_start3A_9 : memref<128x32xf32, #tpu.memory_space<vmem>>) offsets(%dma_start3A_12 : memref<128xi32, #tpu.memory_space<vmem>>) semaphore(%arg7 : memref<!tpu.dma_semaphore, #tpu.memory_space<semaphore_mem>>)
    %dma_wait3A = arith.constant 0 : i32
    %dma_wait3A_16 = arith.constant 0 : i32
    %dma_wait3A_17 = arith.constant 0 : i32
    %dma_wait3A_18 = arith.constant 0 : i32
    %dma_wait3A_19 = tpu.memref_slice %arg6[%dma_wait3A_16, %dma_wait3A_17, %dma_wait3A_18] : memref<2x128x32xf32, #tpu.memory_space<vmem>> -> memref<1x128x32xf32, #tpu.memory_space<vmem>>
    %dma_wait3A_20 = tpu.memref_squeeze %dma_wait3A_19 : memref<1x128x32xf32, #tpu.memory_space<vmem>> -> memref<128x32xf32, #tpu.memory_space<vmem>>
    %dma_wait3A_21 = arith.constant 0 : i32
    %dma_wait3A_22 = tpu.memref_slice %arg5[%dma_wait3A, %dma_wait3A_21] : memref<2x128xi32, #tpu.memory_space<vmem>> -> memref<1x128xi32, #tpu.memory_space<vmem>>
    %dma_wait3A_23 = tpu.memref_squeeze %dma_wait3A_22 : memref<1x128xi32, #tpu.memory_space<vmem>> -> memref<128xi32, #tpu.memory_space<vmem>>
    %dma_wait3A_24 = arith.constant 0 : i32
    %dma_wait3A_25 = arith.constant 0 : i32
    %dma_wait3A_26 = tpu.memref_slice %arg2[%dma_wait3A_24, %dma_wait3A_25] : memref<8192x32xf32, #tpu.memory_space<hbm>> -> memref<8192x32xf32, #tpu.memory_space<hbm>>
    tpu.wait_indirect_dma semaphore(%arg7 : memref<!tpu.dma_semaphore, #tpu.memory_space<semaphore_mem>>) src(%dma_wait3A_26 : memref<8192x32xf32, #tpu.memory_space<hbm>>) dst(%dma_wait3A_20 : memref<128x32xf32, #tpu.memory_space<vmem>>)
    %add3A_27 = arith.constant 0 : i32
    %add3A_28 = arith.addi %mul3A_2, %add3A_27 : i32
    %run_scoped3A_29 = arith.constant 0 : i32
    "tpu.region"() ({
      %run_scoped3A_60 = tpu.sem_alloc : memref<!tpu.dma_semaphore, #tpu.memory_space<semaphore_mem>>
      %dma_start3A_61 = arith.constant 0 : i32
      %dma_start3A_62 = arith.constant 0 : i32
      %dma_start3A_63 = tpu.memref_slice %arg6[%run_scoped3A_29, %dma_start3A_61, %dma_start3A_62] : memref<2x128x32xf32, #tpu.memory_space<vmem>> -> memref<1x128x32xf32, #tpu.memory_space<vmem>>
      %dma_start3A_64 = tpu.memref_squeeze %dma_start3A_63 : memref<1x128x32xf32, #tpu.memory_space<vmem>> -> memref<128x32xf32, #tpu.memory_space<vmem>>
      %dma_start3A_65 = arith.constant 0 : i32
      %dma_start3A_66 = tpu.memref_slice %arg4[%add3A_28, %dma_start3A_65] : memref<8192x32xf32, #tpu.memory_space<hbm>> -> memref<128x32xf32, #tpu.memory_space<hbm>>
      %dma_start3A_67 = arith.constant 0 : i32
      %dma_start3A_68 = tpu.memref_slice %arg4[%add3A_28, %dma_start3A_67] : memref<8192x32xf32, #tpu.memory_space<hbm>> -> memref<128x32xf32, #tpu.memory_space<hbm>>
      %dma_start3A_69 = arith.constant 0 : i32
      %dma_start3A_70 = arith.constant 0 : i32
      %dma_start3A_71 = tpu.memref_slice %arg6[%run_scoped3A_29, %dma_start3A_69, %dma_start3A_70] : memref<2x128x32xf32, #tpu.memory_space<vmem>> -> memref<1x128x32xf32, #tpu.memory_space<vmem>>
      %dma_start3A_72 = tpu.memref_squeeze %dma_start3A_71 : memref<1x128x32xf32, #tpu.memory_space<vmem>> -> memref<128x32xf32, #tpu.memory_space<vmem>>
      tpu.enqueue_dma source(%dma_start3A_72 : memref<128x32xf32, #tpu.memory_space<vmem>>) target(%dma_start3A_68 : memref<128x32xf32, #tpu.memory_space<hbm>>) target_semaphore(%run_scoped3A_60 : memref<!tpu.dma_semaphore, #tpu.memory_space<semaphore_mem>>)
      %dma_wait3A_73 = arith.constant 0 : i32
      %dma_wait3A_74 = arith.constant 0 : i32
      %dma_wait3A_75 = tpu.memref_slice %arg6[%run_scoped3A_29, %dma_wait3A_73, %dma_wait3A_74] : memref<2x128x32xf32, #tpu.memory_space<vmem>> -> memref<1x128x32xf32, #tpu.memory_space<vmem>>
      %dma_wait3A_76 = tpu.memref_squeeze %dma_wait3A_75 : memref<1x128x32xf32, #tpu.memory_space<vmem>> -> memref<128x32xf32, #tpu.memory_space<vmem>>
      %dma_wait3A_77 = arith.constant 0 : i32
      %dma_wait3A_78 = tpu.memref_slice %arg4[%add3A_28, %dma_wait3A_77] : memref<8192x32xf32, #tpu.memory_space<hbm>> -> memref<128x32xf32, #tpu.memory_space<hbm>>
      %dma_wait3A_79 = arith.constant 0 : i32
      %dma_wait3A_80 = tpu.memref_slice %arg4[%add3A_28, %dma_wait3A_79] : memref<8192x32xf32, #tpu.memory_space<hbm>> -> memref<128x32xf32, #tpu.memory_space<hbm>>
      %dma_wait3A_81 = arith.constant 0 : i32
      %dma_wait3A_82 = arith.constant 0 : i32
      %dma_wait3A_83 = tpu.memref_slice %arg6[%run_scoped3A_29, %dma_wait3A_81, %dma_wait3A_82] : memref<2x128x32xf32, #tpu.memory_space<vmem>> -> memref<1x128x32xf32, #tpu.memory_space<vmem>>
      %dma_wait3A_84 = tpu.memref_squeeze %dma_wait3A_83 : memref<1x128x32xf32, #tpu.memory_space<vmem>> -> memref<128x32xf32, #tpu.memory_space<vmem>>
      tpu.wait_dma2 semaphore(%run_scoped3A_60 : memref<!tpu.dma_semaphore, #tpu.memory_space<semaphore_mem>>) src(%dma_wait3A_84 : memref<128x32xf32, #tpu.memory_space<vmem>>) dst(%dma_wait3A_80 : memref<128x32xf32, #tpu.memory_space<hbm>>)
      tpu.yield
    }) : () -> ()
    %add3A_30 = arith.constant 128 : i32
    %add3A_31 = arith.addi %mul3A_2, %add3A_30 : i32
    %run_scoped3A_32 = arith.constant 1 : i32
    "tpu.region"() ({
      %run_scoped3A_60 = tpu.sem_alloc : memref<!tpu.dma_semaphore, #tpu.memory_space<semaphore_mem>>
      %dma_start3A_61 = arith.constant 0 : i32
      %dma_start3A_62 = tpu.memref_slice %arg5[%run_scoped3A_32, %dma_start3A_61] : memref<2x128xi32, #tpu.memory_space<vmem>> -> memref<1x128xi32, #tpu.memory_space<vmem>>
      %dma_start3A_63 = tpu.memref_squeeze %dma_start3A_62 : memref<1x128xi32, #tpu.memory_space<vmem>> -> memref<128xi32, #tpu.memory_space<vmem>>
      %dma_start3A_64 = tpu.memref_slice %arg3[%add3A_31] : memref<8192xi32, #tpu.memory_space<hbm>> -> memref<128xi32, #tpu.memory_space<hbm>>
      %dma_start3A_65 = arith.constant 0 : i32
      %dma_start3A_66 = tpu.memref_slice %arg5[%run_scoped3A_32, %dma_start3A_65] : memref<2x128xi32, #tpu.memory_space<vmem>> -> memref<1x128xi32, #tpu.memory_space<vmem>>
      %dma_start3A_67 = tpu.memref_squeeze %dma_start3A_66 : memref<1x128xi32, #tpu.memory_space<vmem>> -> memref<128xi32, #tpu.memory_space<vmem>>
      %dma_start3A_68 = tpu.memref_slice %arg3[%add3A_31] : memref<8192xi32, #tpu.memory_space<hbm>> -> memref<128xi32, #tpu.memory_space<hbm>>
      tpu.enqueue_dma source(%dma_start3A_68 : memref<128xi32, #tpu.memory_space<hbm>>) target(%dma_start3A_67 : memref<128xi32, #tpu.memory_space<vmem>>) target_semaphore(%run_scoped3A_60 : memref<!tpu.dma_semaphore, #tpu.memory_space<semaphore_mem>>)
      %dma_wait3A_69 = arith.constant 0 : i32
      %dma_wait3A_70 = tpu.memref_slice %arg5[%run_scoped3A_32, %dma_wait3A_69] : memref<2x128xi32, #tpu.memory_space<vmem>> -> memref<1x128xi32, #tpu.memory_space<vmem>>
      %dma_wait3A_71 = tpu.memref_squeeze %dma_wait3A_70 : memref<1x128xi32, #tpu.memory_space<vmem>> -> memref<128xi32, #tpu.memory_space<vmem>>
      %dma_wait3A_72 = tpu.memref_slice %arg3[%add3A_31] : memref<8192xi32, #tpu.memory_space<hbm>> -> memref<128xi32, #tpu.memory_space<hbm>>
      %dma_wait3A_73 = arith.constant 0 : i32
      %dma_wait3A_74 = tpu.memref_slice %arg5[%run_scoped3A_32, %dma_wait3A_73] : memref<2x128xi32, #tpu.memory_space<vmem>> -> memref<1x128xi32, #tpu.memory_space<vmem>>
      %dma_wait3A_75 = tpu.memref_squeeze %dma_wait3A_74 : memref<1x128xi32, #tpu.memory_space<vmem>> -> memref<128xi32, #tpu.memory_space<vmem>>
      %dma_wait3A_76 = tpu.memref_slice %arg3[%add3A_31] : memref<8192xi32, #tpu.memory_space<hbm>> -> memref<128xi32, #tpu.memory_space<hbm>>
      tpu.wait_dma2 semaphore(%run_scoped3A_60 : memref<!tpu.dma_semaphore, #tpu.memory_space<semaphore_mem>>) src(%dma_wait3A_76 : memref<128xi32, #tpu.memory_space<hbm>>) dst(%dma_wait3A_75 : memref<128xi32, #tpu.memory_space<vmem>>)
      tpu.yield
    }) : () -> ()
    %dma_start3A_33 = arith.constant 1 : i32
    %dma_start3A_34 = arith.constant 1 : i32
    %dma_start3A_35 = arith.constant 0 : i32
    %dma_start3A_36 = arith.constant 0 : i32
    %dma_start3A_37 = tpu.memref_slice %arg6[%dma_start3A_34, %dma_start3A_35, %dma_start3A_36] : memref<2x128x32xf32, #tpu.memory_space<vmem>> -> memref<1x128x32xf32, #tpu.memory_space<vmem>>
    %dma_start3A_38 = tpu.memref_squeeze %dma_start3A_37 : memref<1x128x32xf32, #tpu.memory_space<vmem>> -> memref<128x32xf32, #tpu.memory_space<vmem>>
    %dma_start3A_39 = arith.constant 0 : i32
    %dma_start3A_40 = tpu.memref_slice %arg5[%dma_start3A_33, %dma_start3A_39] : memref<2x128xi32, #tpu.memory_space<vmem>> -> memref<1x128xi32, #tpu.memory_space<vmem>>
    %dma_start3A_41 = tpu.memref_squeeze %dma_start3A_40 : memref<1x128xi32, #tpu.memory_space<vmem>> -> memref<128xi32, #tpu.memory_space<vmem>>
    %dma_start3A_42 = arith.constant 0 : i32
    %dma_start3A_43 = arith.constant 0 : i32
    %dma_start3A_44 = tpu.memref_slice %arg2[%dma_start3A_42, %dma_start3A_43] : memref<8192x32xf32, #tpu.memory_space<hbm>> -> memref<8192x32xf32, #tpu.memory_space<hbm>>
    tpu.enqueue_indirect_dma source(%dma_start3A_44 : memref<8192x32xf32, #tpu.memory_space<hbm>>) target(%dma_start3A_38 : memref<128x32xf32, #tpu.memory_space<vmem>>) offsets(%dma_start3A_41 : memref<128xi32, #tpu.memory_space<vmem>>) semaphore(%arg7 : memref<!tpu.dma_semaphore, #tpu.memory_space<semaphore_mem>>)
    %dma_wait3A_45 = arith.constant 1 : i32
    %dma_wait3A_46 = arith.constant 1 : i32
    %dma_wait3A_47 = arith.constant 0 : i32
    %dma_wait3A_48 = arith.constant 0 : i32
    %dma_wait3A_49 = tpu.memref_slice %arg6[%dma_wait3A_46, %dma_wait3A_47, %dma_wait3A_48] : memref<2x128x32xf32, #tpu.memory_space<vmem>> -> memref<1x128x32xf32, #tpu.memory_space<vmem>>
    %dma_wait3A_50 = tpu.memref_squeeze %dma_wait3A_49 : memref<1x128x32xf32, #tpu.memory_space<vmem>> -> memref<128x32xf32, #tpu.memory_space<vmem>>
    %dma_wait3A_51 = arith.constant 0 : i32
    %dma_wait3A_52 = tpu.memref_slice %arg5[%dma_wait3A_45, %dma_wait3A_51] : memref<2x128xi32, #tpu.memory_space<vmem>> -> memref<1x128xi32, #tpu.memory_space<vmem>>
    %dma_wait3A_53 = tpu.memref_squeeze %dma_wait3A_52 : memref<1x128xi32, #tpu.memory_space<vmem>> -> memref<128xi32, #tpu.memory_space<vmem>>
    %dma_wait3A_54 = arith.constant 0 : i32
    %dma_wait3A_55 = arith.constant 0 : i32
    %dma_wait3A_56 = tpu.memref_slice %arg2[%dma_wait3A_54, %dma_wait3A_55] : memref<8192x32xf32, #tpu.memory_space<hbm>> -> memref<8192x32xf32, #tpu.memory_space<hbm>>
    tpu.wait_indirect_dma semaphore(%arg7 : memref<!tpu.dma_semaphore, #tpu.memory_space<semaphore_mem>>) src(%dma_wait3A_56 : memref<8192x32xf32, #tpu.memory_space<hbm>>) dst(%dma_wait3A_50 : memref<128x32xf32, #tpu.memory_space<vmem>>)
    %add3A_57 = arith.constant 128 : i32
    %add3A_58 = arith.addi %mul3A_2, %add3A_57 : i32
    %run_scoped3A_59 = arith.constant 1 : i32
    "tpu.region"() ({
      %run_scoped3A_60 = tpu.sem_alloc : memref<!tpu.dma_semaphore, #tpu.memory_space<semaphore_mem>>
      %dma_start3A_61 = arith.constant 0 : i32
      %dma_start3A_62 = arith.constant 0 : i32
      %dma_start3A_63 = tpu.memref_slice %arg6[%run_scoped3A_59, %dma_start3A_61, %dma_start3A_62] : memref<2x128x32xf32, #tpu.memory_space<vmem>> -> memref<1x128x32xf32, #tpu.memory_space<vmem>>
      %dma_start3A_64 = tpu.memref_squeeze %dma_start3A_63 : memref<1x128x32xf32, #tpu.memory_space<vmem>> -> memref<128x32xf32, #tpu.memory_space<vmem>>
      %dma_start3A_65 = arith.constant 0 : i32
      %dma_start3A_66 = tpu.memref_slice %arg4[%add3A_58, %dma_start3A_65] : memref<8192x32xf32, #tpu.memory_space<hbm>> -> memref<128x32xf32, #tpu.memory_space<hbm>>
      %dma_start3A_67 = arith.constant 0 : i32
      %dma_start3A_68 = tpu.memref_slice %arg4[%add3A_58, %dma_start3A_67] : memref<8192x32xf32, #tpu.memory_space<hbm>> -> memref<128x32xf32, #tpu.memory_space<hbm>>
      %dma_start3A_69 = arith.constant 0 : i32
      %dma_start3A_70 = arith.constant 0 : i32
      %dma_start3A_71 = tpu.memref_slice %arg6[%run_scoped3A_59, %dma_start3A_69, %dma_start3A_70] : memref<2x128x32xf32, #tpu.memory_space<vmem>> -> memref<1x128x32xf32, #tpu.memory_space<vmem>>
      %dma_start3A_72 = tpu.memref_squeeze %dma_start3A_71 : memref<1x128x32xf32, #tpu.memory_space<vmem>> -> memref<128x32xf32, #tpu.memory_space<vmem>>
      tpu.enqueue_dma source(%dma_start3A_72 : memref<128x32xf32, #tpu.memory_space<vmem>>) target(%dma_start3A_68 : memref<128x32xf32, #tpu.memory_space<hbm>>) target_semaphore(%run_scoped3A_60 : memref<!tpu.dma_semaphore, #tpu.memory_space<semaphore_mem>>)
      %dma_wait3A_73 = arith.constant 0 : i32
      %dma_wait3A_74 = arith.constant 0 : i32
      %dma_wait3A_75 = tpu.memref_slice %arg6[%run_scoped3A_59, %dma_wait3A_73, %dma_wait3A_74] : memref<2x128x32xf32, #tpu.memory_space<vmem>> -> memref<1x128x32xf32, #tpu.memory_space<vmem>>
      %dma_wait3A_76 = tpu.memref_squeeze %dma_wait3A_75 : memref<1x128x32xf32, #tpu.memory_space<vmem>> -> memref<128x32xf32, #tpu.memory_space<vmem>>
      %dma_wait3A_77 = arith.constant 0 : i32
      %dma_wait3A_78 = tpu.memref_slice %arg4[%add3A_58, %dma_wait3A_77] : memref<8192x32xf32, #tpu.memory_space<hbm>> -> memref<128x32xf32, #tpu.memory_space<hbm>>
      %dma_wait3A_79 = arith.constant 0 : i32
      %dma_wait3A_80 = tpu.memref_slice %arg4[%add3A_58, %dma_wait3A_79] : memref<8192x32xf32, #tpu.memory_space<hbm>> -> memref<128x32xf32, #tpu.memory_space<hbm>>
      %dma_wait3A_81 = arith.constant 0 : i32
      %dma_wait3A_82 = arith.constant 0 : i32
      %dma_wait3A_83 = tpu.memref_slice %arg6[%run_scoped3A_59, %dma_wait3A_81, %dma_wait3A_82] : memref<2x128x32xf32, #tpu.memory_space<vmem>> -> memref<1x128x32xf32, #tpu.memory_space<vmem>>
      %dma_wait3A_84 = tpu.memref_squeeze %dma_wait3A_83 : memref<1x128x32xf32, #tpu.memory_space<vmem>> -> memref<128x32xf32, #tpu.memory_space<vmem>>
      tpu.wait_dma2 semaphore(%run_scoped3A_60 : memref<!tpu.dma_semaphore, #tpu.memory_space<semaphore_mem>>) src(%dma_wait3A_84 : memref<128x32xf32, #tpu.memory_space<vmem>>) dst(%dma_wait3A_80 : memref<128x32xf32, #tpu.memory_space<hbm>>)
      tpu.yield
    }) : () -> ()
    return
  }
}

module attributes {stable_mosaic.version = 14 : i64} {
  func.func @_tc_body(%arg0: i32, %arg1: memref<32x1024xf32, #tpu.memory_space<vmem>>, %arg2: memref<8192x32xf32, #tpu.memory_space<vmem>>, %arg3: memref<1x1x1024xi32, #tpu.memory_space<vmem>>, %arg4: memref<1x1xf32, #tpu.memory_space<vmem>>) attributes {dimension_semantics = [#tpu.dimension_semantics<arbitrary>], iteration_bounds = array<i64: 8>, scalar_prefetch = 0 : i64, scratch_operands = 0 : i64, tpu.core_type = #tpu.core_type<tc>, window_params = [{transform_indices = @transform_0, window_bounds = array<i64: 32, 1024>}, {pipeline_mode = #tpu.pipeline_mode<synchronous>, transform_indices = @transform_1, window_bounds = array<i64: 8192, 32>}, {transform_indices = @transform_2, window_bounds = array<i64: 1, 1, 1024>}, {pipeline_mode = #tpu.pipeline_mode<synchronous>, transform_indices = @transform_3, window_bounds = array<i64: 1, 1>}]} {
    %get3A = arith.constant 0 : index
    %get3A_0 = arith.constant 0 : index
    %get3A_1 = vector.load %arg1[%get3A, %get3A_0] : memref<32x1024xf32, #tpu.memory_space<vmem>>, vector<32x1024xf32>
    %add3A = arith.addf %get3A_1, %get3A_1 : vector<32x1024xf32>
    %convert_element_type3A = arith.truncf %add3A : vector<32x1024xf32> to vector<32x1024xbf16>
    %mul3A = arith.mulf %get3A_1, %get3A_1 : vector<32x1024xf32>
    %reduce_sum3A = arith.constant dense<0.000000e+00> : vector<1024xf32>
    %reduce_sum3A_2 = vector.multi_reduction <add>, %mul3A, %reduce_sum3A [0] : vector<32x1024xf32> to vector<1024xf32>
    %broadcast_in_dim3A = vector.shape_cast %reduce_sum3A_2 : vector<1024xf32> to vector<1x1024xf32>
    %get3A_3 = arith.constant 0 : index
    %get3A_4 = arith.constant 0 : index
    %get3A_5 = vector.load %arg2[%get3A_3, %get3A_4] : memref<8192x32xf32, #tpu.memory_space<vmem>>, vector<2048x32xf32>
    %convert_element_type3A_6 = arith.truncf %get3A_5 : vector<2048x32xf32> to vector<2048x32xbf16>
    %dot_general3A = arith.constant dense<0.000000e+00> : vector<2048x1024xf32>
    %dot_general3A_7 = tpu.matmul %convert_element_type3A_6, %convert_element_type3A, %dot_general3A {dimension_numbers = #tpu.dot_dimension_numbers<[1], [0], [0], [1], [0, 0, 1, 1], [], []>, transpose_lhs_hint = false} : vector<2048x32xbf16>, vector<32x1024xbf16>, vector<2048x1024xf32> -> vector<2048x1024xf32>
    %mul3A_8 = arith.mulf %get3A_5, %get3A_5 : vector<2048x32xf32>
    %reduce_sum3A_9 = arith.constant dense<0.000000e+00> : vector<2048xf32>
    %reduce_sum3A_10 = vector.multi_reduction <add>, %mul3A_8, %reduce_sum3A_9 [1] : vector<2048x32xf32> to vector<2048xf32>
    %broadcast_in_dim3A_11 = vector.shape_cast %reduce_sum3A_10 : vector<2048xf32> to vector<2048x1xf32>
    %add3A_12 = vector.broadcast %broadcast_in_dim3A : vector<1x1024xf32> to vector<2048x1024xf32>
    %add3A_13 = vector.broadcast %broadcast_in_dim3A_11 : vector<2048x1xf32> to vector<2048x1024xf32>
    %add3A_14 = arith.addf %add3A_12, %add3A_13 : vector<2048x1024xf32>
    %sub3A = arith.subf %add3A_14, %dot_general3A_7 : vector<2048x1024xf32>
    %max3A = arith.constant 0.000000e+00 : f32
    %max3A_15 = vector.broadcast %max3A : f32 to vector<2048x1024xf32>
    %max3A_16 = arith.maximumf %sub3A, %max3A_15 : vector<2048x1024xf32>
    %sqrt3A = math.sqrt %max3A_16 : vector<2048x1024xf32>
    %reduce_min3A = arith.constant dense<0x7F800000> : vector<1024xf32>
    %reduce_min3A_17 = vector.multi_reduction <minimumf>, %sqrt3A, %reduce_min3A [0] : vector<2048x1024xf32> to vector<1024xf32>
    %broadcast_in_dim3A_18 = vector.shape_cast %reduce_min3A_17 : vector<1024xf32> to vector<1x1024xf32>
    %iota3A = tpu.iota {dimensions = array<i32: 0>} : vector<2048x1xi32>
    %convert_element_type3A_19 = arith.sitofp %iota3A : vector<2048x1xi32> to vector<2048x1xf32>
    %eq3A = vector.broadcast %broadcast_in_dim3A_18 : vector<1x1024xf32> to vector<2048x1024xf32>
    %eq3A_20 = arith.cmpf oeq, %sqrt3A, %eq3A : vector<2048x1024xf32>
    %jit3A = arith.constant 0x7F800000 : f32
    %broadcast_in_dim3A_21 = vector.shape_cast %convert_element_type3A_19 : vector<2048x1xf32> to vector<2048x1xf32>
    %broadcast_in_dim3A_22 = vector.broadcast %broadcast_in_dim3A_21 : vector<2048x1xf32> to vector<2048x1024xf32>
    %broadcast_in_dim3A_23 = vector.broadcast %jit3A : f32 to vector<2048x1024xf32>
    %select_n3A = arith.select %eq3A_20, %broadcast_in_dim3A_22, %broadcast_in_dim3A_23 : vector<2048x1024xi1>, vector<2048x1024xf32>
    %reduce_min3A_24 = arith.constant dense<0x7F800000> : vector<1024xf32>
    %reduce_min3A_25 = vector.multi_reduction <minimumf>, %select_n3A, %reduce_min3A_24 [0] : vector<2048x1024xf32> to vector<1024xf32>
    %broadcast_in_dim3A_26 = vector.shape_cast %reduce_min3A_25 : vector<1024xf32> to vector<1x1024xf32>
    %add3A_27 = arith.constant 0.000000e+00 : f32
    %add3A_28 = vector.broadcast %add3A_27 : f32 to vector<1x1024xf32>
    %add3A_29 = arith.addf %broadcast_in_dim3A_26, %add3A_28 : vector<1x1024xf32>
    %convert_element_type3A_30 = arith.truncf %broadcast_in_dim3A_18 : vector<1x1024xf32> to vector<1x1024xbf16>
    %convert_element_type3A_31 = arith.extf %convert_element_type3A_30 : vector<1x1024xbf16> to vector<1x1024xf32>
    %get3A_32 = arith.constant 2048 : index
    %get3A_33 = arith.constant 0 : index
    %get3A_34 = vector.load %arg2[%get3A_32, %get3A_33] : memref<8192x32xf32, #tpu.memory_space<vmem>>, vector<2048x32xf32>
    %convert_element_type3A_35 = arith.truncf %get3A_34 : vector<2048x32xf32> to vector<2048x32xbf16>
    %dot_general3A_36 = arith.constant dense<0.000000e+00> : vector<2048x1024xf32>
    %dot_general3A_37 = tpu.matmul %convert_element_type3A_35, %convert_element_type3A, %dot_general3A_36 {dimension_numbers = #tpu.dot_dimension_numbers<[1], [0], [0], [1], [0, 0, 1, 1], [], []>, transpose_lhs_hint = false} : vector<2048x32xbf16>, vector<32x1024xbf16>, vector<2048x1024xf32> -> vector<2048x1024xf32>
    %mul3A_38 = arith.mulf %get3A_34, %get3A_34 : vector<2048x32xf32>
    %reduce_sum3A_39 = arith.constant dense<0.000000e+00> : vector<2048xf32>
    %reduce_sum3A_40 = vector.multi_reduction <add>, %mul3A_38, %reduce_sum3A_39 [1] : vector<2048x32xf32> to vector<2048xf32>
    %broadcast_in_dim3A_41 = vector.shape_cast %reduce_sum3A_40 : vector<2048xf32> to vector<2048x1xf32>
    %add3A_42 = vector.broadcast %broadcast_in_dim3A : vector<1x1024xf32> to vector<2048x1024xf32>
    %add3A_43 = vector.broadcast %broadcast_in_dim3A_41 : vector<2048x1xf32> to vector<2048x1024xf32>
    %add3A_44 = arith.addf %add3A_42, %add3A_43 : vector<2048x1024xf32>
    %sub3A_45 = arith.subf %add3A_44, %dot_general3A_37 : vector<2048x1024xf32>
    %max3A_46 = arith.constant 0.000000e+00 : f32
    %max3A_47 = vector.broadcast %max3A_46 : f32 to vector<2048x1024xf32>
    %max3A_48 = arith.maximumf %sub3A_45, %max3A_47 : vector<2048x1024xf32>
    %sqrt3A_49 = math.sqrt %max3A_48 : vector<2048x1024xf32>
    %reduce_min3A_50 = arith.constant dense<0x7F800000> : vector<1024xf32>
    %reduce_min3A_51 = vector.multi_reduction <minimumf>, %sqrt3A_49, %reduce_min3A_50 [0] : vector<2048x1024xf32> to vector<1024xf32>
    %broadcast_in_dim3A_52 = vector.shape_cast %reduce_min3A_51 : vector<1024xf32> to vector<1x1024xf32>
    %iota3A_53 = tpu.iota {dimensions = array<i32: 0>} : vector<2048x1xi32>
    %convert_element_type3A_54 = arith.sitofp %iota3A_53 : vector<2048x1xi32> to vector<2048x1xf32>
    %eq3A_55 = vector.broadcast %broadcast_in_dim3A_52 : vector<1x1024xf32> to vector<2048x1024xf32>
    %eq3A_56 = arith.cmpf oeq, %sqrt3A_49, %eq3A_55 : vector<2048x1024xf32>
    %jit3A_57 = arith.constant 0x7F800000 : f32
    %broadcast_in_dim3A_58 = vector.shape_cast %convert_element_type3A_54 : vector<2048x1xf32> to vector<2048x1xf32>
    %broadcast_in_dim3A_59 = vector.broadcast %broadcast_in_dim3A_58 : vector<2048x1xf32> to vector<2048x1024xf32>
    %broadcast_in_dim3A_60 = vector.broadcast %jit3A_57 : f32 to vector<2048x1024xf32>
    %select_n3A_61 = arith.select %eq3A_56, %broadcast_in_dim3A_59, %broadcast_in_dim3A_60 : vector<2048x1024xi1>, vector<2048x1024xf32>
    %reduce_min3A_62 = arith.constant dense<0x7F800000> : vector<1024xf32>
    %reduce_min3A_63 = vector.multi_reduction <minimumf>, %select_n3A_61, %reduce_min3A_62 [0] : vector<2048x1024xf32> to vector<1024xf32>
    %broadcast_in_dim3A_64 = vector.shape_cast %reduce_min3A_63 : vector<1024xf32> to vector<1x1024xf32>
    %add3A_65 = arith.constant 2.048000e+03 : f32
    %add3A_66 = vector.broadcast %add3A_65 : f32 to vector<1x1024xf32>
    %add3A_67 = arith.addf %broadcast_in_dim3A_64, %add3A_66 : vector<1x1024xf32>
    %convert_element_type3A_68 = arith.truncf %broadcast_in_dim3A_52 : vector<1x1024xf32> to vector<1x1024xbf16>
    %convert_element_type3A_69 = arith.extf %convert_element_type3A_68 : vector<1x1024xbf16> to vector<1x1024xf32>
    %lt3A = arith.cmpf olt, %broadcast_in_dim3A_52, %convert_element_type3A_31 : vector<1x1024xf32>
    %select_n3A_70 = arith.select %lt3A, %add3A_67, %add3A_29 : vector<1x1024xi1>, vector<1x1024xf32>
    %select_n3A_71 = arith.select %lt3A, %convert_element_type3A_69, %convert_element_type3A_31 : vector<1x1024xi1>, vector<1x1024xf32>
    %min3A = arith.minimumf %broadcast_in_dim3A_18, %broadcast_in_dim3A_52 : vector<1x1024xf32>
    %get3A_72 = arith.constant 4096 : index
    %get3A_73 = arith.constant 0 : index
    %get3A_74 = vector.load %arg2[%get3A_72, %get3A_73] : memref<8192x32xf32, #tpu.memory_space<vmem>>, vector<2048x32xf32>
    %convert_element_type3A_75 = arith.truncf %get3A_74 : vector<2048x32xf32> to vector<2048x32xbf16>
    %dot_general3A_76 = arith.constant dense<0.000000e+00> : vector<2048x1024xf32>
    %dot_general3A_77 = tpu.matmul %convert_element_type3A_75, %convert_element_type3A, %dot_general3A_76 {dimension_numbers = #tpu.dot_dimension_numbers<[1], [0], [0], [1], [0, 0, 1, 1], [], []>, transpose_lhs_hint = false} : vector<2048x32xbf16>, vector<32x1024xbf16>, vector<2048x1024xf32> -> vector<2048x1024xf32>
    %mul3A_78 = arith.mulf %get3A_74, %get3A_74 : vector<2048x32xf32>
    %reduce_sum3A_79 = arith.constant dense<0.000000e+00> : vector<2048xf32>
    %reduce_sum3A_80 = vector.multi_reduction <add>, %mul3A_78, %reduce_sum3A_79 [1] : vector<2048x32xf32> to vector<2048xf32>
    %broadcast_in_dim3A_81 = vector.shape_cast %reduce_sum3A_80 : vector<2048xf32> to vector<2048x1xf32>
    %add3A_82 = vector.broadcast %broadcast_in_dim3A : vector<1x1024xf32> to vector<2048x1024xf32>
    %add3A_83 = vector.broadcast %broadcast_in_dim3A_81 : vector<2048x1xf32> to vector<2048x1024xf32>
    %add3A_84 = arith.addf %add3A_82, %add3A_83 : vector<2048x1024xf32>
    %sub3A_85 = arith.subf %add3A_84, %dot_general3A_77 : vector<2048x1024xf32>
    %max3A_86 = arith.constant 0.000000e+00 : f32
    %max3A_87 = vector.broadcast %max3A_86 : f32 to vector<2048x1024xf32>
    %max3A_88 = arith.maximumf %sub3A_85, %max3A_87 : vector<2048x1024xf32>
    %sqrt3A_89 = math.sqrt %max3A_88 : vector<2048x1024xf32>
    %reduce_min3A_90 = arith.constant dense<0x7F800000> : vector<1024xf32>
    %reduce_min3A_91 = vector.multi_reduction <minimumf>, %sqrt3A_89, %reduce_min3A_90 [0] : vector<2048x1024xf32> to vector<1024xf32>
    %broadcast_in_dim3A_92 = vector.shape_cast %reduce_min3A_91 : vector<1024xf32> to vector<1x1024xf32>
    %iota3A_93 = tpu.iota {dimensions = array<i32: 0>} : vector<2048x1xi32>
    %convert_element_type3A_94 = arith.sitofp %iota3A_93 : vector<2048x1xi32> to vector<2048x1xf32>
    %eq3A_95 = vector.broadcast %broadcast_in_dim3A_92 : vector<1x1024xf32> to vector<2048x1024xf32>
    %eq3A_96 = arith.cmpf oeq, %sqrt3A_89, %eq3A_95 : vector<2048x1024xf32>
    %jit3A_97 = arith.constant 0x7F800000 : f32
    %broadcast_in_dim3A_98 = vector.shape_cast %convert_element_type3A_94 : vector<2048x1xf32> to vector<2048x1xf32>
    %broadcast_in_dim3A_99 = vector.broadcast %broadcast_in_dim3A_98 : vector<2048x1xf32> to vector<2048x1024xf32>
    %broadcast_in_dim3A_100 = vector.broadcast %jit3A_97 : f32 to vector<2048x1024xf32>
    %select_n3A_101 = arith.select %eq3A_96, %broadcast_in_dim3A_99, %broadcast_in_dim3A_100 : vector<2048x1024xi1>, vector<2048x1024xf32>
    %reduce_min3A_102 = arith.constant dense<0x7F800000> : vector<1024xf32>
    %reduce_min3A_103 = vector.multi_reduction <minimumf>, %select_n3A_101, %reduce_min3A_102 [0] : vector<2048x1024xf32> to vector<1024xf32>
    %broadcast_in_dim3A_104 = vector.shape_cast %reduce_min3A_103 : vector<1024xf32> to vector<1x1024xf32>
    %add3A_105 = arith.constant 4.096000e+03 : f32
    %add3A_106 = vector.broadcast %add3A_105 : f32 to vector<1x1024xf32>
    %add3A_107 = arith.addf %broadcast_in_dim3A_104, %add3A_106 : vector<1x1024xf32>
    %convert_element_type3A_108 = arith.truncf %broadcast_in_dim3A_92 : vector<1x1024xf32> to vector<1x1024xbf16>
    %convert_element_type3A_109 = arith.extf %convert_element_type3A_108 : vector<1x1024xbf16> to vector<1x1024xf32>
    %lt3A_110 = arith.cmpf olt, %broadcast_in_dim3A_92, %select_n3A_71 : vector<1x1024xf32>
    %select_n3A_111 = arith.select %lt3A_110, %add3A_107, %select_n3A_70 : vector<1x1024xi1>, vector<1x1024xf32>
    %select_n3A_112 = arith.select %lt3A_110, %convert_element_type3A_109, %select_n3A_71 : vector<1x1024xi1>, vector<1x1024xf32>
    %min3A_113 = arith.minimumf %min3A, %broadcast_in_dim3A_92 : vector<1x1024xf32>
    %get3A_114 = arith.constant 6144 : index
    %get3A_115 = arith.constant 0 : index
    %get3A_116 = vector.load %arg2[%get3A_114, %get3A_115] : memref<8192x32xf32, #tpu.memory_space<vmem>>, vector<2048x32xf32>
    %convert_element_type3A_117 = arith.truncf %get3A_116 : vector<2048x32xf32> to vector<2048x32xbf16>
    %dot_general3A_118 = arith.constant dense<0.000000e+00> : vector<2048x1024xf32>
    %dot_general3A_119 = tpu.matmul %convert_element_type3A_117, %convert_element_type3A, %dot_general3A_118 {dimension_numbers = #tpu.dot_dimension_numbers<[1], [0], [0], [1], [0, 0, 1, 1], [], []>, transpose_lhs_hint = false} : vector<2048x32xbf16>, vector<32x1024xbf16>, vector<2048x1024xf32> -> vector<2048x1024xf32>
    %mul3A_120 = arith.mulf %get3A_116, %get3A_116 : vector<2048x32xf32>
    %reduce_sum3A_121 = arith.constant dense<0.000000e+00> : vector<2048xf32>
    %reduce_sum3A_122 = vector.multi_reduction <add>, %mul3A_120, %reduce_sum3A_121 [1] : vector<2048x32xf32> to vector<2048xf32>
    %broadcast_in_dim3A_123 = vector.shape_cast %reduce_sum3A_122 : vector<2048xf32> to vector<2048x1xf32>
    %add3A_124 = vector.broadcast %broadcast_in_dim3A : vector<1x1024xf32> to vector<2048x1024xf32>
    %add3A_125 = vector.broadcast %broadcast_in_dim3A_123 : vector<2048x1xf32> to vector<2048x1024xf32>
    %add3A_126 = arith.addf %add3A_124, %add3A_125 : vector<2048x1024xf32>
    %sub3A_127 = arith.subf %add3A_126, %dot_general3A_119 : vector<2048x1024xf32>
    %max3A_128 = arith.constant 0.000000e+00 : f32
    %max3A_129 = vector.broadcast %max3A_128 : f32 to vector<2048x1024xf32>
    %max3A_130 = arith.maximumf %sub3A_127, %max3A_129 : vector<2048x1024xf32>
    %sqrt3A_131 = math.sqrt %max3A_130 : vector<2048x1024xf32>
    %reduce_min3A_132 = arith.constant dense<0x7F800000> : vector<1024xf32>
    %reduce_min3A_133 = vector.multi_reduction <minimumf>, %sqrt3A_131, %reduce_min3A_132 [0] : vector<2048x1024xf32> to vector<1024xf32>
    %broadcast_in_dim3A_134 = vector.shape_cast %reduce_min3A_133 : vector<1024xf32> to vector<1x1024xf32>
    %iota3A_135 = tpu.iota {dimensions = array<i32: 0>} : vector<2048x1xi32>
    %convert_element_type3A_136 = arith.sitofp %iota3A_135 : vector<2048x1xi32> to vector<2048x1xf32>
    %eq3A_137 = vector.broadcast %broadcast_in_dim3A_134 : vector<1x1024xf32> to vector<2048x1024xf32>
    %eq3A_138 = arith.cmpf oeq, %sqrt3A_131, %eq3A_137 : vector<2048x1024xf32>
    %jit3A_139 = arith.constant 0x7F800000 : f32
    %broadcast_in_dim3A_140 = vector.shape_cast %convert_element_type3A_136 : vector<2048x1xf32> to vector<2048x1xf32>
    %broadcast_in_dim3A_141 = vector.broadcast %broadcast_in_dim3A_140 : vector<2048x1xf32> to vector<2048x1024xf32>
    %broadcast_in_dim3A_142 = vector.broadcast %jit3A_139 : f32 to vector<2048x1024xf32>
    %select_n3A_143 = arith.select %eq3A_138, %broadcast_in_dim3A_141, %broadcast_in_dim3A_142 : vector<2048x1024xi1>, vector<2048x1024xf32>
    %reduce_min3A_144 = arith.constant dense<0x7F800000> : vector<1024xf32>
    %reduce_min3A_145 = vector.multi_reduction <minimumf>, %select_n3A_143, %reduce_min3A_144 [0] : vector<2048x1024xf32> to vector<1024xf32>
    %broadcast_in_dim3A_146 = vector.shape_cast %reduce_min3A_145 : vector<1024xf32> to vector<1x1024xf32>
    %add3A_147 = arith.constant 6.144000e+03 : f32
    %add3A_148 = vector.broadcast %add3A_147 : f32 to vector<1x1024xf32>
    %add3A_149 = arith.addf %broadcast_in_dim3A_146, %add3A_148 : vector<1x1024xf32>
    %lt3A_150 = arith.cmpf olt, %broadcast_in_dim3A_134, %select_n3A_112 : vector<1x1024xf32>
    %select_n3A_151 = arith.select %lt3A_150, %add3A_149, %select_n3A_111 : vector<1x1024xi1>, vector<1x1024xf32>
    %min3A_152 = arith.minimumf %min3A_113, %broadcast_in_dim3A_134 : vector<1x1024xf32>
    %convert_element_type3A_153 = arith.fptosi %select_n3A_151 : vector<1x1024xf32> to vector<1x1024xi32>
    %reshape3A = vector.shape_cast %convert_element_type3A_153 : vector<1x1024xi32> to vector<1x1x1024xi32>
    %swap3A = arith.constant 0 : index
    %swap3A_154 = arith.constant 0 : index
    %swap3A_155 = arith.constant 0 : index
    %swap3A_156 = vector.load %arg3[%swap3A, %swap3A_154, %swap3A_155] : memref<1x1x1024xi32, #tpu.memory_space<vmem>>, vector<1x1x1024xi32>
    tpu.vector_store %arg3[%swap3A, %swap3A_154, %swap3A_155], %reshape3A {strides = array<i32>} : memref<1x1x1024xi32, #tpu.memory_space<vmem>>, vector<1x1x1024xi32>,
    %mul3A_157 = arith.mulf %min3A_152, %min3A_152 : vector<1x1024xf32>
    %reduce_sum3A_158 = vector.shape_cast %mul3A_157 : vector<1x1024xf32> to vector<1x1x1024xf32>
    %reduce_sum3A_159 = arith.constant dense<0.000000e+00> : vector<1xf32>
    %reduce_sum3A_160 = vector.multi_reduction <add>, %reduce_sum3A_158, %reduce_sum3A_159 [1, 2] : vector<1x1x1024xf32> to vector<1xf32>
    %reduce_sum3A_161 = vector.shape_cast %reduce_sum3A_160 : vector<1xf32> to vector<1x1x1xf32>
    %reduce_sum3A_162 = vector.extract %reduce_sum3A_161[0, 0, 0] : f32 from vector<1x1x1xf32>
    %eq3A_163 = arith.constant 0 : i32
    %eq3A_164 = arith.cmpi eq, %arg0, %eq3A_163 : i32
    %broadcast_in_dim3A_165 = arith.constant 0.000000e+00 : f32
    %broadcast_in_dim3A_166 = vector.broadcast %broadcast_in_dim3A_165 : f32 to vector<1x1xf32>
    %get3A_167 = arith.constant 0 : index
    %get3A_168 = arith.constant 0 : index
    %get3A_169 = vector.load %arg4[%get3A_167, %get3A_168] : memref<1x1xf32, #tpu.memory_space<vmem>>, vector<1x1xf32>
    %select_n3A_170 = arith.select %eq3A_164, %broadcast_in_dim3A_166, %get3A_169 : vector<1x1xf32>
    %add3A_171 = vector.broadcast %reduce_sum3A_162 : f32 to vector<1x1xf32>
    %add3A_172 = arith.addf %select_n3A_170, %add3A_171 : vector<1x1xf32>
    %eq3A_173 = arith.constant 7 : i32
    %eq3A_174 = arith.cmpi eq, %arg0, %eq3A_173 : i32
    %mul3A_175 = arith.constant 3.81469727E-6 : f32
    %mul3A_176 = vector.broadcast %mul3A_175 : f32 to vector<1x1xf32>
    %mul3A_177 = arith.mulf %add3A_172, %mul3A_176 : vector<1x1xf32>
    %select_n3A_178 = arith.select %eq3A_174, %mul3A_177, %add3A_172 : vector<1x1xf32>
    %swap3A_179 = arith.constant 0 : index
    %swap3A_180 = arith.constant 0 : index
    %swap3A_181 = vector.load %arg4[%swap3A_179, %swap3A_180] : memref<1x1xf32, #tpu.memory_space<vmem>>, vector<1x1xf32>
    tpu.vector_store %arg4[%swap3A_179, %swap3A_180], %select_n3A_178 {strides = array<i32>} : memref<1x1xf32, #tpu.memory_space<vmem>>, vector<1x1xf32>,
    return
  }
  func.func @transform_0(%arg0: i32) -> (i32, i32) {
    %c0_i32 = arith.constant 0 : i32
    %c0_i32_0 = arith.constant 0 : i32
    return %c0_i32, %arg0 : i32, i32
  }
  func.func @transform_1(%arg0: i32) -> (i32, i32) {
    %c0_i32 = arith.constant 0 : i32
    %c0_i32_0 = arith.constant 0 : i32
    %c0_i32_1 = arith.constant 0 : i32
    return %c0_i32, %c0_i32_0 : i32, i32
  }
  func.func @transform_2(%arg0: i32) -> (i32, i32, i32) {
    %c0_i32 = arith.constant 0 : i32
    %c0_i32_0 = arith.constant 0 : i32
    %c0_i32_1 = arith.constant 0 : i32
    return %arg0, %c0_i32, %c0_i32_0 : i32, i32, i32
  }
  func.func @transform_3(%arg0: i32) -> (i32, i32) {
    %c0_i32 = arith.constant 0 : i32
    %c0_i32_0 = arith.constant 0 : i32
    %c0_i32_1 = arith.constant 0 : i32
    return %c0_i32, %c0_i32_0 : i32, i32
  }
}

</mosaic_0001>

<sc_bundles>
// kernel: kernel.4.cloned.1.call-start
scs
__scs_entry_jumppad:
0x0: {  	(pc) =	sbr.rel $0x88, $3  }
0x1: {  	(tag) =	ssettag $0x0;
	lr =	simm.s32 $0x1  }
0x2: {  	[smem:$0x3F9F] =	sst lr;
	_ =	strace $0xD0000000  }
0x3: {  	_ = 	snop  }
0x4: {  	_ = 	snop  }
0x5: {  	_ = 	snop  }
0x6: {  	_ = 	snop  }
0x7: {  	_ = 	snop  }
__scs_overlays_trampoline_lowered:
0x8: {  	[smem:$0x3FAE] =	sst s0  }
0x9: {  	[smem:$0x3FAF] =	sst s1  }
0xa: {  	[smem:$0x3FB0] =	sst s2  }
0xb: {  	[smem:$0x3FB1] =	sst s3  }
0xc: {  	[smem:$0x3FB2] =	sst s4  }
0xd: {  	[smem:$0x3FB3] =	sst s5  }
0xe: {  	[smem:$0x3FB4] =	sst s6  }
0xf: {  	[smem:$0x3FB5] =	sst s7  }
0x10: {  	[smem:$0x3FB6] =	sst s8  }
0x11: {  	[smem:$0x3FB7] =	sst s9;
	s0 =	simm.s32 @!p0 $0x0  }
0x12: {  	s1 =	sld [smem:$0x3F9D];
	s0 =	simm.s32 @p0 $0x1  }
0x13: {  	[smem:$0x3FB8] =	sst s0;
	s0 =	simm.s32 @!p1 $0x0  }
0x14: {  	s2 =	sld [smem:$0x3F9C];
	s0 =	simm.s32 @p1 $0x1  }
0x15: {  	[smem:$0x3FB9] =	sst s0;
	s0 =	simm.s32 @!p2 $0x0  }
0x16: {  	s3 =	sld [smem:$0x3FDB];
	s0 =	simm.s32 @p2 $0x1  }
0x17: {  	s4 =	simm.s32 $0x1BF5;
	[smem:$0x3FBB] =	sst s0  }
0x18: {  	s0 =	sld [smem:$0x3F9E];
	_ =	swait.ge [sflag:s4], $0x0  }
0x19: {  	s7 =	sld [smem:$0x3F9F]  }
0x1a: {  	s8 =	sadd.s32 $0xFFFFE003, lr  }
0x1b: {  	s9 =	sadd.s32 $0xFFFFFEF7, lr;
	s5 =	simm.s32 $0xFFFFFFFF;
	p2 =	slt.u32 s8, $0xFFFFF086  }
0x1c: {  	p1 =	slt.u32 s9, $0xF7A;
	s5 =	simm.s32 @!p2 $0x0  }
0x1d: {  	s5 =	simm.s32 @p1 $0x1;
	p0 =	seq.s32 s7, s2  }
0x1e: {  	s7 =	smul.u32 @!p0 $0xF7A, s2;
	p2 =	seq.s32 @!p0 s5, $0x0  }
0x1f: {  	s9 =	smul.u32 $0xF7A, s1;
	s8 =	simm.s32 @!p0 $0x1BF5;
	p2 =	por !p2, p0  }
0x20: {  	[sflag:s8] =	ssyncset.s32 @!p0 $0xFFFFF086;
	s6 =	sadd.s32 @!p0 s3, s7;
	s7 =	simm.s32 @!p0 $0x108  }
0x21: {  	s3 =	sadd.s32 s3, s9;
	s6 =	sadd.s32 @!p0 $0x88, s6;
	s7 =	simm.s32 @p2 $0x1082  }
0x22: {  	[simem:s7], [sflag:s8] =	dma.local @!p0 [hbm:s6], $0xF7A  }
0x23: {  	s9 =	sor.u32 $0xD0000000, s2;
	s6 =	simm.s32 $0x108;
	_ =	swait.ge @!p0 [sflag:s8], $0x0  }
0x24: {  	s3 =	sadd.s32 $0x88, s3;
	s6 =	simm.s32 @!p1 $0x1082;
	[sflag:s4] =	ssyncset.s32 $0xFFFFF086  }
0x25: {  	[simem:s6], [sflag:s4] =	dma.local [hbm:s3], $0xF7A  }
0x26: {  	[smem:$0x3F9F] =	sst s1;
	(tag) =	ssettag s2;
	_ =	strace s9  }
0x27: {  	s1 =	sld [smem:$0x3FAF]  }
0x28: {  	s2 =	sld [smem:$0x3FB0]  }
0x29: {  	s4 =	sld [smem:$0x3FB2]  }
0x2a: {  	p0 =	seq.s32 s5, $0x0;
	s5 =	sld [smem:$0x3FB3]  }
0x2b: {  	s6 =	sld [smem:$0x3FB4]  }
0x2c: {  	s7 =	sld [smem:$0x3FB5]  }
0x2d: {  	s3 =	simm.s32 $0x108;
	s8 =	sld [smem:$0x3FB6]  }
0x2e: {  	s3 =	simm.s32 @!p0 $0x1082;
	s9 =	sld [smem:$0x3FB7]  }
0x2f: {  	lr =	sadd.s32 s0, s3;
	s0 =	sld [smem:$0x3FAE]  }
0x30: {  	s3 =	sld [smem:$0x3FB1]  }
0x31: {  	[smem:$0x3FBA] =	sst s10  }
0x32: {  	s10 =	sld [smem:$0x3FB8];
	_ =	sdelay $0x3  }
0x33: {  	p0 =	seq.s32 s10, $0x1;
	s10 =	sld [smem:$0x3FBA];
	_ =	sdelay $0x3  }
0x34: {  	[smem:$0x3FBA] =	sst s10  }
0x35: {  	s10 =	sld [smem:$0x3FB9];
	_ =	sdelay $0x3  }
0x36: {  	p1 =	seq.s32 s10, $0x1;
	s10 =	sld [smem:$0x3FBA];
	_ =	sdelay $0x3  }
0x37: {  	[smem:$0x3FBA] =	sst s10  }
0x38: {  	s10 =	sld [smem:$0x3FBB]  }
0x39: {  	_ = 	snop;
	(pc) =	sbr.ind lr, $3  }
0x3a: {  	_ = 	snop  }
0x3b: {  	_ = 	snop  }
0x3c: {  	p2 =	seq.s32 s10, $0x1;
	s10 =	sld [smem:$0x3FBA]  }
0x3d: {  	_ =	shalt  }
0x3e: {  	_ =	shalt  }
0x3f: {  	_ =	shalt  }
0x40: {  	_ =	shalt  }
0x41: {  	_ =	shalt  }
0x42: {  	_ =	shalt  }
0x43: {  	_ =	shalt  }
0x44: {  	_ =	shalt  }
0x45: {  	_ =	shalt  }
0x46: {  	_ =	shalt  }
0x47: {  	_ =	shalt  }
0x48: {  	_ =	shalt  }
0x49: {  	_ =	shalt  }
0x4a: {  	_ =	shalt  }
0x4b: {  	_ =	shalt  }
0x4c: {  	_ =	shalt  }
0x4d: {  	_ =	shalt  }
0x4e: {  	_ =	shalt  }
0x4f: {  	_ =	shalt  }
0x50: {  	_ =	shalt  }
0x51: {  	_ =	shalt  }
0x52: {  	_ =	shalt  }
0x53: {  	_ =	shalt  }
0x54: {  	_ =	shalt  }
0x55: {  	_ =	shalt  }
0x56: {  	_ =	shalt  }
0x57: {  	_ =	shalt  }
0x58: {  	_ =	shalt  }
0x59: {  	_ =	shalt  }
0x5a: {  	_ =	shalt  }
0x5b: {  	_ =	shalt  }
0x5c: {  	_ =	shalt  }
0x5d: {  	_ =	shalt  }
0x5e: {  	_ =	shalt  }
0x5f: {  	_ =	shalt  }
0x60: {  	_ =	shalt  }
0x61: {  	_ =	shalt  }
0x62: {  	_ =	shalt  }
0x63: {  	_ =	shalt  }
0x64: {  	_ =	shalt  }
0x65: {  	_ =	shalt  }
0x66: {  	_ =	shalt  }
0x67: {  	_ =	shalt  }
0x68: {  	_ =	shalt  }
0x69: {  	_ =	shalt  }
0x6a: {  	_ =	shalt  }
0x6b: {  	_ =	shalt  }
0x6c: {  	_ =	shalt  }
0x6d: {  	_ =	shalt  }
0x6e: {  	_ =	shalt  }
0x6f: {  	_ =	shalt  }
0x70: {  	_ =	shalt  }
0x71: {  	_ =	shalt  }
0x72: {  	_ =	shalt  }
0x73: {  	_ =	shalt  }
0x74: {  	_ =	shalt  }
0x75: {  	_ =	shalt  }
0x76: {  	_ =	shalt  }
0x77: {  	_ =	shalt  }
0x78: {  	_ =	shalt  }
0x79: {  	_ =	shalt  }
0x7a: {  	_ =	shalt  }
0x7b: {  	_ =	shalt  }
0x7c: {  	_ =	shalt  }
0x7d: {  	_ =	shalt  }
0x7e: {  	_ =	shalt  }
0x7f: {  	_ =	shalt  }
0x80: {  	_ =	shalt  }
0x81: {  	_ =	shalt  }
0x82: {  	_ =	shalt  }
0x83: {  	_ =	shalt  }
0x84: {  	_ =	shalt  }
0x85: {  	_ =	shalt  }
0x86: {  	_ =	shalt  }
0x87: {  	_ =	shalt  }
.Lfunc_end0:
.L_simem_size_0:
called_computation_lowered:
.L_overlay_start_0:
0x88: {  	s2 =	sld [smem:$0x3FD9]  }
0x89: {  	s3 =	sld [smem:$0x3FFE];
	_ =	sdelay $0x1  }
0x8a: {  	s1 =	srdreg.scid  }
0x8b: {  	s0 =	sand.u32 $0x1, s1  }
0x8c: {  	s14 =	sshll.u32 s0, $0xA;
	s2 =	sadd.s32 s3, s2  }
0x8d: {  	s2 =	sadd.s32 s2, s14  }
0x8e: {  	[smem:$0x3FC6] =	sst s2  }
0x8f: {  	_ = 	snop  }
0x90: {  	s2 =	sld [smem:$0x3FD0];
	_ =	sdelay $0x2  }
0x91: {  	s15 =	simm.s32 $0xA;
	s4 =	simm.s32 $0x10  }
0x92: {  	[smem:s4], [sflag:s15] =	dma.local [hbm:s2], $0x1  }
0x93: {  	_ =	swait.eq [sflag:s15], $0x1  }
0x94: {  	[sflag:s15] =	ssyncset.done $0x0  }
0x95: {  	s16 =	sld [smem:$0x10];
	[sflag:s15] =	ssyncadd.s32 $0xFFFFFFFF  }
0x96: {  	s17 =	sld [smem:$0x12];
	(tm) =	ssettm $0x1  }
0x97: {  	s18 =	sld [smem:$0x3FFB];
	_ =	sdelay $0x3  }
0x98: {  	_ =	strace s18  }
0x99: {  	s4 =	sld [smem:$0x3FFC];
	_ =	sdelay $0x3  }
0x9a: {  	_ =	strace s4  }
0x9b: {  	s4 =	sld [smem:$0x3FFD];
	_ =	sdelay $0x3  }
0x9c: {  	_ =	strace s4  }
0x9d: {  	_ =	strace $0x8FFFFFFF  }
0x9e: {  	s19 =	sld [smem:$0x3FDB];
	_ =	sdelay $0x1  }
0x9f: {  	s5 =	simm.s32 $_scs_section_size  }
0xa0: {  	s6 =	simm.s32 $_size__tile_overlayer_lowered;
	s7 =	simm.s32 $_tile_overlayer_lowered  }
0xa1: {  	s22 =	simm.s32 $0x1BFF;
	s21 =	sshll.u32 s7, $0x1;
	s4 =	sadd.s32 s5, s19  }
0xa2: {  	s8 =	simm.s32 $0x0;
	s20 =	sshll.u32 s6, $0x1;
	s6 =	sadd.s32 s21, s4  }
0xa3: {  	[timem:s8], [sflag:s22] =	dma.local [hbm:s6], s20  }
0xa4: {  	_ =	swait.ge [sflag:s22], s20  }
0xa5: {  	s5 =	ssub.s32 $0x0, s20;
	[sflag:s22] =	ssyncset.done $0x0  }
0xa6: {  	[sflag:s22] =	ssyncadd.s32 s5;
	_ =	sdelay $0x1  }
0xa7: {  	s23 =	simm.s32 $0x1B8B  }
0xa8: {  	_ =	swait.ge [sflag:s23], $0x1  }
0xa9: {  	[sflag:s23] =	ssyncset.done $0x0  }
0xaa: {  	s25 =	simm.s32 $0x1B8E;
	s24 =	sld [smem:$0x3FFE];
	[sflag:s23] =	ssyncadd.s32 $0xFFFFFFFF  }
0xab: {  	s26 =	simm.s32 $execute0_lowered;
	[smem:$0x3FD2] =	sst s25  }
0xac: {  	s6 =	sshll.u32 s26, $0x1;
	_ =	strace $0x80000046;
	[dreg:$0x1] =	wrdreg $0xFFFFFFFF  }
0xad: {  	s28 =	simm.s32 $_size_execute0_lowered;
	s4 =	sadd.s32 s4, s6;
	[dreg:$0x0] =	wrdreg $0x0  }
0xae: {  	s6 =	sshll.u32 s28, $0x1;
	[dreg:$0x2] =	wrdreg s4  }
0xaf: {  	[dreg:$0x3] =	wrdreg s6  }
0xb0: {  	[dreg:$0x4] =	wrdreg $0xC0  }
0xb1: {  	_ =	task [dreg:s8], $0x5FFFF  }
0xb2: {  	[dreg:$0x1] =	wrdreg $0xFFFFFFFF  }
0xb3: {  	[dreg:$0x0] =	wrdreg $0x60  }
0xb4: {  	[dreg:$0x2] =	wrdreg s16  }
0xb5: {  	[dreg:$0x3] =	wrdreg s17  }
0xb6: {  	[dreg:$0x4] =	wrdreg s24  }
0xb7: {  	[dreg:$0x5] =	wrdreg $0x9  }
0xb8: {  	_ =	task.clear_ibuf [dreg:s8], $0x6FFFF;
	_ =	strace $0x90000046  }
0xb9: {  	s29 =	simm.s32 $0x9;
	_ =	strace $0x80000048  }
0xba: {  	_ =	swait.ge [sflag:s29], $0x1  }
0xbb: {  	[sflag:s29] =	ssyncadd.s32 $0xFFFFFFFF  }
0xbc: {  	_ =	strace $0x90000048  }
0xbd: {  	_ =	sfence  }
0xbe: {  	s30 =	sld [smem:$0x0];
	_ =	sdelay $0x2  }
0xbf: {  	s31 =	sshll.u32 s1, $0xD;
	s1 =	sshrl.u32 s1, $0x2  }
0xc0: {  	s3 =	sand.u32 $0x4000, s31;
	s1 =	sadd.s32 s1, s30  }
0xc1: {  	s0 =	sor.u32 s3, s0;
	s1 =	sshll.u32 s1, $0x11  }
0xc2: {  	s0 =	sor.u32 s1, s0  }
0xc3: {  	s0 =	sadd.s32 $0x8F2B, s0  }
0xc4: {  	[sflag:s0] =	ssyncadd.remote.s32 $0x1  }
0xc5: {  	_ =	sfence.sel $0xFFFF  }
0xc6: {  	[dreg:$0x0] =	wrdreg $0xFFFFFFFF;
	(pc) =	sbr.abs _section_cstart, $3  }
0xc7: {  	[dreg:$0x1] =	wrdreg $0xFFFFFFFF  }
0xc8: {  	_ =	task.clear_ibuf [dreg:s8], $0x2FFFF;
	_ =	strace $0x9FFFFFFF  }
0xc9: {  	(tm) =	ssettm $0x7FFFFFFF  }
tec
execute0_lowered:
.L_overlay_start_1:
0x0: {  	(tag) =	ssettag $0x1  }
0x1: {  	s1 =	rddreg [dreg:$0x0];
	s2 =	srdreg.scid  }
0x2: {  	s10 =	rddreg [dreg:$0x1];
	s0 =	stileid.u32;
	s11 =	sand.u32 $0x1, s2  }
0x3: {  	s9 =	rddreg [dreg:$0x2];
	s4 =	sshll.u32 s0, $0x9;
	s5 =	sshll.u32 s11, $0x8  }
0x4: {  	s3 =	simm.s32 $0x0;
	s2 =	rddreg [dreg:$0x3];
	s12 =	sor.u32 s5, s4  }
0x5: {  	[smem:$0x7FF] =	sst s3;
	s4 =	sshrl.u32 s12, $0x3  }
0x6: {  	_ =	strace $0x80000047;
	s5 =	sadd.s32 s10, s4;
	s4 =	simm.s32 $0x2  }
0x7: {  	[tilespmem:s3], [sflag:$0x2] =	stream.linear.gather [hbm4b:s5+s3], $0x80, $0x38;
	[tilespmem:$0x2100] =	vst v63  }
0x8: {  	_ =	swait.ge [sflag:s4], $0x80  }
0x9: {  	s6 =	simm.s32 $0x80;
	[sflag:s4] =	ssyncset.done $0x0  }
0xa: {  	s7 =	simm.s32 $0x100;
	s8 =	simm.s32 $0x1;
	[sflag:s4] =	ssyncadd.s32 $0xFFFFFF80  }
0xb: {  	[tilespmem:s7], [sflag:$0x1] =	stream.indirect.gather [hbm4b:s1+s6], $0x20, s3, s6, $0xb8;
	[tilespmem:$0x2100] =	vst v63  }
0xc: {  	_ =	swait.ge [sflag:s8], $0x1000  }
0xd: {  	s13 =	sadd.s32 $0x800, s9;
	s29 =	sshll.u32 s12, $0x2;
	[sflag:s8] =	ssyncset.done $0x0  }
0xe: {  	s9 =	sadd.s32 s13, s29;
	[sflag:s8] =	ssyncadd.s32 $0xFFFFF000  }
0xf: {  	[hbm4b:s9+s3] =	stream.linear.scatter [tilespmem:s7], [sflag:$0x2], $0x1000, $0x38;
	[tilespmem:$0x2100] =	vst v63  }
0x10: {  	s12 =	sor.u32 $0x80, s12;
	_ =	swait.ge [sflag:s4], $0x1000  }
0x11: {  	s14 =	sshrl.u32 s12, $0x3;
	[sflag:s4] =	ssyncset.done $0x0  }
0x12: {  	s30 =	ssub.s32 $0x2, s11;
	s10 =	sadd.s32 s10, s14;
	[sflag:s4] =	ssyncadd.s32 $0xFFFFF000  }
0x13: {  	[tilespmem:s6], [sflag:$0x2] =	stream.linear.gather [hbm4b:s10+s3], $0x80, $0x38;
	[tilespmem:$0x2100] =	vst v63  }
0x14: {  	s15 =	sshrl.u32 s30, $0x1;
	_ =	swait.ge [sflag:s4], $0x80  }
0x15: {  	s14 =	ssub.s32 s30, s15;
	[sflag:s4] =	ssyncset.done $0x0  }
0x16: {  	s11 =	simm.s32 $0x1100;
	s31 =	smax.u32 s14, $0x1;
	[sflag:s4] =	ssyncadd.s32 $0xFFFFFF80  }
0x17: {  	[tilespmem:s11], [sflag:$0x1] =	stream.indirect.gather [hbm4b:s1+s6], $0x20, s6, s6, $0xb8;
	[tilespmem:$0x2100] =	vst v63  }
0x18: {  	p0 =	sne.s32 s31, $0x1;
	_ =	swait.ge [sflag:s8], $0x1000  }
.Ltmp0:
0x19: {  	s12 =	sshll.u32 s12, $0x2;
	[sflag:s8] =	ssyncset.done $0x0;
	(pc) =	sbr.rel @!p0 .LBB2_2-.Ltmp0, $4  }
0x1a: {  	s12 =	sadd.s32 s13, s12;
	[sflag:s8] =	ssyncadd.s32 $0xFFFFF000  }
0x1b: {  	[hbm4b:s12+s3] =	stream.linear.scatter [tilespmem:s11], [sflag:$0x2], $0x1000, $0x38;
	[tilespmem:$0x2100] =	vst v63  }
0x1c: {  	_ =	swait.ge [sflag:s4], $0x1000  }
0x1d: {  	s13 =	sadd.s32 $0xFFFFFFFF, s31;
	[sflag:s4] =	ssyncset.done $0x0  }
.LBB2_1:
0x1e: {  	p0 =	sne.s32 s13, $0x1;
	s13 =	sadd.s32 $0xFFFFFFFF, s13;
	[sflag:s4] =	ssyncadd.s32 $0xFFFFF000  }
0x1f: {  	[tilespmem:s3], [sflag:$0x2] =	stream.linear.gather [hbm4b:s5+s3], $0x80, $0x38;
	[tilespmem:$0x2100] =	vst v63  }
0x20: {  	_ =	swait.ge [sflag:s4], $0x80  }
0x21: {  	[sflag:s4] =	ssyncset.done $0x0  }
0x22: {  	[sflag:s4] =	ssyncadd.s32 $0xFFFFFF80  }
0x23: {  	[tilespmem:s7], [sflag:$0x1] =	stream.indirect.gather [hbm4b:s1+s6], $0x20, s3, s6, $0xb8;
	[tilespmem:$0x2100] =	vst v63  }
0x24: {  	_ =	swait.ge [sflag:s8], $0x1000  }
0x25: {  	[sflag:s8] =	ssyncset.done $0x0  }
0x26: {  	[sflag:s8] =	ssyncadd.s32 $0xFFFFF000  }
0x27: {  	[hbm4b:s9+s3] =	stream.linear.scatter [tilespmem:s7], [sflag:$0x2], $0x1000, $0x38;
	[tilespmem:$0x2100] =	vst v63  }
0x28: {  	_ =	swait.ge [sflag:s4], $0x1000  }
0x29: {  	[sflag:s4] =	ssyncset.done $0x0  }
0x2a: {  	[sflag:s4] =	ssyncadd.s32 $0xFFFFF000  }
0x2b: {  	[tilespmem:s6], [sflag:$0x2] =	stream.linear.gather [hbm4b:s10+s3], $0x80, $0x38;
	[tilespmem:$0x2100] =	vst v63  }
0x2c: {  	_ =	swait.ge [sflag:s4], $0x80  }
0x2d: {  	[sflag:s4] =	ssyncset.done $0x0  }
0x2e: {  	[sflag:s4] =	ssyncadd.s32 $0xFFFFFF80  }
0x2f: {  	[tilespmem:s11], [sflag:$0x1] =	stream.indirect.gather [hbm4b:s1+s6], $0x20, s6, s6, $0xb8;
	[tilespmem:$0x2100] =	vst v63  }
0x30: {  	_ =	swait.ge [sflag:s8], $0x1000  }
.Ltmp1:
0x31: {  	[sflag:s8] =	ssyncset.done $0x0;
	(pc) =	sbr.rel @p0 .LBB2_1-.Ltmp1, $4  }
0x32: {  	[sflag:s8] =	ssyncadd.s32 $0xFFFFF000  }
0x33: {  	[hbm4b:s12+s3] =	stream.linear.scatter [tilespmem:s11], [sflag:$0x2], $0x1000, $0x38;
	[tilespmem:$0x2100] =	vst v63  }
0x34: {  	_ =	swait.ge [sflag:s4], $0x1000  }
0x35: {  	[sflag:s4] =	ssyncset.done $0x0  }
.LBB2_2:
0x36: {  	[sflag:s4] =	ssyncadd.s32 $0xFFFFF000  }
0x37: {  	_ =	sfence.sel $0x180000  }
0x38: {  	[bflag:$0x0] =	sbarrier.arrive $0xFFFF  }
0x39: {  	p0 =	sne.s32 s0, $0x0;
	_ =	strace $0x90000047  }
0x3a: {  	s0 =	sadd.s32 @!p0 $0x100000, s2;
	[bflag:$0x2] =	sbarrier.arrive $0xFFFF  }
0x3b: {  	[sflag:s0] =	ssyncadd.tile.s32 @!p0 $0x1;
	_ =	shalt  }
.Lfunc_end2:
_tile_overlayer_lowered:
.L_overlay_start_2:
0x3c: {  	(tag) =	ssettag $0x2  }
0x3d: {  	s0 =	rddreg [dreg:$0x0];
	s2 =	stileid.u32  }
0x3e: {  	s1 =	rddreg [dreg:$0x1];
	p0 =	sne.s32 s2, $0x0  }
0x3f: {  	s3 =	rddreg [dreg:$0x2];
	[bflag:$0x3] =	sbarrier.arrive $0xFFFF;
	s2 =	simm.s32 @!p0 $0x1C02  }
0x40: {  	[timem:s3], [sflag:s2] =	dma.local @!p0 [hbm:s0], s1  }
0x41: {  	s0 =	simm.s32 @!p0 $0x2  }
0x42: {  	_ =	swait.ge @!p0 [sflag:s0], s1  }
0x43: {  	s1 =	ssub.s32 @!p0 $0x0, s1;
	[sflag:s0] =	ssyncset.done @!p0 $0x0  }
0x44: {  	[sflag:s0] =	ssyncadd.s32 @!p0 s1  }
0x45: {  	[bflag:$0x3] =	sbarrier.arrive $0xFFFF  }
0x46: {  	_ =	shalt  }

</sc_bundles>
